<compile_context>
chip_gen: v7x
topology: tpu7x:2x2x1
jax: 0.10.2.dev20260603
libtpu: 0.0.44.dev20260713+nightly
codegen_flags: <defaults>
</compile_context>

<pallas_src>
import functools

import jax
import jax.numpy as jnp
from jax import lax
from jax.experimental import pallas as pl
from jax.experimental.pallas import tpu as pltpu
from jax.experimental.pallas import tpu_sc as plsc

N_EMB = 1_000_000
D_EMB = 64
BATCH = 16384

_NC = 2
_NS = 16
_NW = _NC * _NS
_CH = 128
_NCH = BATCH // (_NW * _CH)
_NCHUNKS = BATCH // _CH
_NTILES = BATCH // (8 * _CH)

_mesh = plsc.VectorSubcoreMesh(core_axis_name="c", subcore_axis_name="s")


@functools.partial(
    pl.kernel,
    mesh=_mesh,
    out_type=jax.ShapeDtypeStruct((_NCHUNKS, _CH, 2 * D_EMB), jnp.float32),
    scratch_types=[
        pltpu.VMEM((8, _CH), jnp.int32),
        pltpu.VMEM((_CH, 2 * D_EMB), jnp.float32),
        pltpu.VMEM((_CH, 2 * D_EMB), jnp.float32),
        pltpu.VMEM((_CH, 2 * D_EMB), jnp.float32),
        pltpu.VMEM((_CH, 2 * D_EMB), jnp.float32),
        pltpu.SemaphoreType.DMA,
        pltpu.SemaphoreType.DMA,
        pltpu.SemaphoreType.DMA,
        pltpu.SemaphoreType.DMA,
        pltpu.SemaphoreType.DMA,
    ],
)
def _pair_gather(idx_hbm, table_hbm, out_hbm,
                 idx_v, b0, b1, b2, b3, sg0, sg1, sg2, sg3, so):
    wid = lax.axis_index("s") * _NC + lax.axis_index("c")
    pltpu.sync_copy(idx_hbm.at[wid // 2], idx_v)
    r0 = (wid % 2) * _NCH
    bufs = (b0, b1, b2, b3)
    sems = (sg0, sg1, sg2, sg3)
    gathers = [
        pltpu.async_copy(table_hbm.at[idx_v.at[r0 + j]], bufs[j], sems[j])
        for j in range(_NCH)
    ]
    writes = []
    for j in range(_NCH):
        gathers[j].wait()
        writes.append(pltpu.async_copy(bufs[j], out_hbm.at[wid * _NCH + j], so))
    for w in writes:
        w.wait()


def kernel(x, emb):
    xi = x.astype(jnp.int32)
    xp = (xi >> 1).reshape(_NTILES, 8, _CH)
    table = emb.reshape(N_EMB // 2, 2 * D_EMB)
    pairs = _pair_gather(xp, table).reshape(BATCH, 2 * D_EMB)
    odd = (xi & 1).astype(jnp.bool_)[:, None]
    return jnp.where(odd, pairs[:, D_EMB:], pairs[:, :D_EMB])

# --- scband reference (transcript-rebuilt; emitter-appended) ---
"""Pipeline reference for scband-embedding-12232066859354 (READ-ONLY COPY).

The authoritative reference and input builder live on the scoring server;
editing this copy changes nothing except your own understanding.
"""

import jax, jax.numpy as jnp
import numpy as np

N_EMB = 1000000
D_EMB = 64
BATCH = 16384

def setup_inputs(seed: int = 0) -> dict:
    key = jax.random.key(seed)
    k1, k2 = jax.random.split(key)
    x = jax.random.randint(k1, (BATCH,), 0, N_EMB, dtype=jnp.int64 if jax.config.jax_enable_x64 else jnp.int32)
    emb = jax.random.normal(k2, (N_EMB, D_EMB), dtype=jnp.float32)
    return {"x": x, "emb": emb}

def reference(x, emb):
    # emb[x] -> gather rows
    return jnp.take(emb, x, axis=0)

if __name__ == "__main__":
    import jax
    _d = setup_inputs()
    print(jax.jit(kernel)(*tuple(_d.values())))

</pallas_src>

<mosaic_0001>
#map = affine_map<(d0, d1) -> (0, 0, 0)>
#map1 = affine_map<(d0, d1) -> (0, 0)>
module attributes {stable_mosaic.version = 14 : i64} {
  func.func @_pair_gather(%arg0: i32, %arg1: i32, %arg2: memref<16x8x128xi32, #tpu.memory_space<hbm>>, %arg3: memref<500000x128xf32, #tpu.memory_space<hbm>>, %arg4: memref<128x128x128xf32, #tpu.memory_space<hbm>>, %arg5: memref<8x128xi32, #tpu.memory_space<vmem>>, %arg6: memref<128x128xf32, #tpu.memory_space<vmem>>, %arg7: memref<128x128xf32, #tpu.memory_space<vmem>>, %arg8: memref<128x128xf32, #tpu.memory_space<vmem>>, %arg9: memref<128x128xf32, #tpu.memory_space<vmem>>, %arg10: memref<!tpu.dma_semaphore, #tpu.memory_space<semaphore_mem>>, %arg11: memref<!tpu.dma_semaphore, #tpu.memory_space<semaphore_mem>>, %arg12: memref<!tpu.dma_semaphore, #tpu.memory_space<semaphore_mem>>, %arg13: memref<!tpu.dma_semaphore, #tpu.memory_space<semaphore_mem>>, %arg14: memref<!tpu.dma_semaphore, #tpu.memory_space<semaphore_mem>>) attributes {dimension_semantics = [#tpu.dimension_semantics<core_parallel>, #tpu.dimension_semantics<subcore_parallel>], iteration_bounds = array<i64: 2, 16>, scalar_prefetch = 0 : i64, scratch_operands = 10 : i64, tpu.core_type = #tpu.core_type<sc_vector_subcore>, window_params = [{transform_indices = #map}, {transform_indices = #map1}, {transform_indices = #map}]} {
    %mul3A = arith.constant 2 : i32
    %mul3A_0 = arith.muli %arg1, %mul3A : i32
    %add3A = arith.addi %mul3A_0, %arg0 : i32
    %jit3A = arith.constant 2 : i32
    %div3A = arith.divsi %add3A, %jit3A : i32
    %sign3A = arith.constant 0 : i32
    %sign3A_1 = arith.cmpi sgt, %add3A, %sign3A : i32
    %sign3A_2 = arith.extui %sign3A_1 : i1 to i32
    %sign3A_3 = arith.constant 0 : i32
    %sign3A_4 = arith.cmpi slt, %add3A, %sign3A_3 : i32
    %sign3A_5 = arith.extui %sign3A_4 : i1 to i32
    %sign3A_6 = arith.subi %sign3A_2, %sign3A_5 : i32
    %sign3A_7 = arith.constant 0 : i32
    %sign3A_8 = arith.cmpi sgt, %jit3A, %sign3A_7 : i32
    %sign3A_9 = arith.extui %sign3A_8 : i1 to i32
    %sign3A_10 = arith.constant 0 : i32
    %sign3A_11 = arith.cmpi slt, %jit3A, %sign3A_10 : i32
    %sign3A_12 = arith.extui %sign3A_11 : i1 to i32
    %sign3A_13 = arith.subi %sign3A_9, %sign3A_12 : i32
    %ne3A = arith.cmpi ne, %sign3A_6, %sign3A_13 : i32
    %rem3A = arith.remsi %add3A, %jit3A : i32
    %ne3A_14 = arith.constant 0 : i32
    %ne3A_15 = arith.cmpi ne, %rem3A, %ne3A_14 : i32
    %and3A = arith.andi %ne3A, %ne3A_15 : i1
    %sub3A = arith.constant 1 : i32
    %sub3A_16 = arith.subi %div3A, %sub3A : i32
    %select_n3A = arith.select %and3A, %sub3A_16, %div3A : i32
    "tpu.region"() ({
      %run_scoped3A = tpu.sem_alloc : memref<!tpu.dma_semaphore, #tpu.memory_space<semaphore_mem>>
      %dma_start3A_167 = arith.constant 0 : i32
      %dma_start3A_168 = arith.constant 0 : i32
      %dma_start3A_169 = tpu.memref_slice %arg2[%select_n3A, %dma_start3A_167, %dma_start3A_168] : memref<16x8x128xi32, #tpu.memory_space<hbm>> -> memref<1x8x128xi32, #tpu.memory_space<hbm>>
      %dma_start3A_170 = tpu.memref_squeeze %dma_start3A_169 : memref<1x8x128xi32, #tpu.memory_space<hbm>> -> memref<8x128xi32, #tpu.memory_space<hbm>>
      %dma_start3A_171 = arith.constant 0 : i32
      %dma_start3A_172 = arith.constant 0 : i32
      %dma_start3A_173 = tpu.memref_slice %arg2[%select_n3A, %dma_start3A_171, %dma_start3A_172] : memref<16x8x128xi32, #tpu.memory_space<hbm>> -> memref<1x8x128xi32, #tpu.memory_space<hbm>>
      %dma_start3A_174 = tpu.memref_squeeze %dma_start3A_173 : memref<1x8x128xi32, #tpu.memory_space<hbm>> -> memref<8x128xi32, #tpu.memory_space<hbm>>
      tpu.enqueue_dma source(%dma_start3A_174 : memref<8x128xi32, #tpu.memory_space<hbm>>) target(%arg5 : memref<8x128xi32, #tpu.memory_space<vmem>>) target_semaphore(%run_scoped3A : memref<!tpu.dma_semaphore, #tpu.memory_space<semaphore_mem>>)
      %dma_wait3A_175 = arith.constant 0 : i32
      %dma_wait3A_176 = arith.constant 0 : i32
      %dma_wait3A_177 = tpu.memref_slice %arg2[%select_n3A, %dma_wait3A_175, %dma_wait3A_176] : memref<16x8x128xi32, #tpu.memory_space<hbm>> -> memref<1x8x128xi32, #tpu.memory_space<hbm>>
      %dma_wait3A_178 = tpu.memref_squeeze %dma_wait3A_177 : memref<1x8x128xi32, #tpu.memory_space<hbm>> -> memref<8x128xi32, #tpu.memory_space<hbm>>
      %dma_wait3A_179 = arith.constant 0 : i32
      %dma_wait3A_180 = arith.constant 0 : i32
      %dma_wait3A_181 = tpu.memref_slice %arg2[%select_n3A, %dma_wait3A_179, %dma_wait3A_180] : memref<16x8x128xi32, #tpu.memory_space<hbm>> -> memref<1x8x128xi32, #tpu.memory_space<hbm>>
      %dma_wait3A_182 = tpu.memref_squeeze %dma_wait3A_181 : memref<1x8x128xi32, #tpu.memory_space<hbm>> -> memref<8x128xi32, #tpu.memory_space<hbm>>
      tpu.wait_dma2 semaphore(%run_scoped3A : memref<!tpu.dma_semaphore, #tpu.memory_space<semaphore_mem>>) src(%dma_wait3A_182 : memref<8x128xi32, #tpu.memory_space<hbm>>) dst(%arg5 : memref<8x128xi32, #tpu.memory_space<vmem>>)
      tpu.yield
    }) : () -> ()
    %jit3A_17 = arith.constant 2 : i32
    %eq3A = arith.constant 0 : i32
    %eq3A_18 = arith.cmpi eq, %jit3A_17, %eq3A : i32
    %jit3A_19 = arith.constant 1 : i32
    %select_n3A_20 = arith.select %eq3A_18, %jit3A_19, %jit3A_17 : i32
    %rem3A_21 = arith.remsi %add3A, %select_n3A_20 : i32
    %ne3A_22 = arith.constant 0 : i32
    %ne3A_23 = arith.cmpi ne, %rem3A_21, %ne3A_22 : i32
    %lt3A = arith.constant 0 : i32
    %lt3A_24 = arith.cmpi slt, %rem3A_21, %lt3A : i32
    %lt3A_25 = arith.constant 0 : i32
    %lt3A_26 = arith.cmpi slt, %select_n3A_20, %lt3A_25 : i32
    %ne3A_27 = arith.xori %lt3A_24, %lt3A_26 : i1
    %and3A_28 = arith.andi %ne3A_27, %ne3A_23 : i1
    %add3A_29 = arith.addi %rem3A_21, %select_n3A_20 : i32
    %select_n3A_30 = arith.select %and3A_28, %add3A_29, %rem3A_21 : i32
    %mul3A_31 = arith.constant 4 : i32
    %mul3A_32 = arith.muli %select_n3A_30, %mul3A_31 : i32
    %add3A_33 = arith.constant 0 : i32
    %add3A_34 = arith.addi %mul3A_32, %add3A_33 : i32
    %dma_start3A = arith.constant 0 : i32
    %dma_start3A_35 = tpu.memref_slice %arg5[%add3A_34, %dma_start3A] : memref<8x128xi32, #tpu.memory_space<vmem>> -> memref<1x128xi32, #tpu.memory_space<vmem>>
    %dma_start3A_36 = tpu.memref_squeeze %dma_start3A_35 : memref<1x128xi32, #tpu.memory_space<vmem>> -> memref<128xi32, #tpu.memory_space<vmem>>
    %dma_start3A_37 = arith.constant 0 : i32
    %dma_start3A_38 = arith.constant 0 : i32
    %dma_start3A_39 = tpu.memref_slice %arg3[%dma_start3A_37, %dma_start3A_38] : memref<500000x128xf32, #tpu.memory_space<hbm>> -> memref<500000x128xf32, #tpu.memory_space<hbm>>
    tpu.enqueue_indirect_dma source(%dma_start3A_39 : memref<500000x128xf32, #tpu.memory_space<hbm>>) target(%arg6 : memref<128x128xf32, #tpu.memory_space<vmem>>) offsets(%dma_start3A_36 : memref<128xi32, #tpu.memory_space<vmem>>) semaphore(%arg10 : memref<!tpu.dma_semaphore, #tpu.memory_space<semaphore_mem>>)
    %add3A_40 = arith.constant 1 : i32
    %add3A_41 = arith.addi %mul3A_32, %add3A_40 : i32
    %dma_start3A_42 = arith.constant 0 : i32
    %dma_start3A_43 = tpu.memref_slice %arg5[%add3A_41, %dma_start3A_42] : memref<8x128xi32, #tpu.memory_space<vmem>> -> memref<1x128xi32, #tpu.memory_space<vmem>>
    %dma_start3A_44 = tpu.memref_squeeze %dma_start3A_43 : memref<1x128xi32, #tpu.memory_space<vmem>> -> memref<128xi32, #tpu.memory_space<vmem>>
    %dma_start3A_45 = arith.constant 0 : i32
    %dma_start3A_46 = arith.constant 0 : i32
    %dma_start3A_47 = tpu.memref_slice %arg3[%dma_start3A_45, %dma_start3A_46] : memref<500000x128xf32, #tpu.memory_space<hbm>> -> memref<500000x128xf32, #tpu.memory_space<hbm>>
    tpu.enqueue_indirect_dma source(%dma_start3A_47 : memref<500000x128xf32, #tpu.memory_space<hbm>>) target(%arg7 : memref<128x128xf32, #tpu.memory_space<vmem>>) offsets(%dma_start3A_44 : memref<128xi32, #tpu.memory_space<vmem>>) semaphore(%arg11 : memref<!tpu.dma_semaphore, #tpu.memory_space<semaphore_mem>>)
    %add3A_48 = arith.constant 2 : i32
    %add3A_49 = arith.addi %mul3A_32, %add3A_48 : i32
    %dma_start3A_50 = arith.constant 0 : i32
    %dma_start3A_51 = tpu.memref_slice %arg5[%add3A_49, %dma_start3A_50] : memref<8x128xi32, #tpu.memory_space<vmem>> -> memref<1x128xi32, #tpu.memory_space<vmem>>
    %dma_start3A_52 = tpu.memref_squeeze %dma_start3A_51 : memref<1x128xi32, #tpu.memory_space<vmem>> -> memref<128xi32, #tpu.memory_space<vmem>>
    %dma_start3A_53 = arith.constant 0 : i32
    %dma_start3A_54 = arith.constant 0 : i32
    %dma_start3A_55 = tpu.memref_slice %arg3[%dma_start3A_53, %dma_start3A_54] : memref<500000x128xf32, #tpu.memory_space<hbm>> -> memref<500000x128xf32, #tpu.memory_space<hbm>>
    tpu.enqueue_indirect_dma source(%dma_start3A_55 : memref<500000x128xf32, #tpu.memory_space<hbm>>) target(%arg8 : memref<128x128xf32, #tpu.memory_space<vmem>>) offsets(%dma_start3A_52 : memref<128xi32, #tpu.memory_space<vmem>>) semaphore(%arg12 : memref<!tpu.dma_semaphore, #tpu.memory_space<semaphore_mem>>)
    %add3A_56 = arith.constant 3 : i32
    %add3A_57 = arith.addi %mul3A_32, %add3A_56 : i32
    %dma_start3A_58 = arith.constant 0 : i32
    %dma_start3A_59 = tpu.memref_slice %arg5[%add3A_57, %dma_start3A_58] : memref<8x128xi32, #tpu.memory_space<vmem>> -> memref<1x128xi32, #tpu.memory_space<vmem>>
    %dma_start3A_60 = tpu.memref_squeeze %dma_start3A_59 : memref<1x128xi32, #tpu.memory_space<vmem>> -> memref<128xi32, #tpu.memory_space<vmem>>
    %dma_start3A_61 = arith.constant 0 : i32
    %dma_start3A_62 = arith.constant 0 : i32
    %dma_start3A_63 = tpu.memref_slice %arg3[%dma_start3A_61, %dma_start3A_62] : memref<500000x128xf32, #tpu.memory_space<hbm>> -> memref<500000x128xf32, #tpu.memory_space<hbm>>
    tpu.enqueue_indirect_dma source(%dma_start3A_63 : memref<500000x128xf32, #tpu.memory_space<hbm>>) target(%arg9 : memref<128x128xf32, #tpu.memory_space<vmem>>) offsets(%dma_start3A_60 : memref<128xi32, #tpu.memory_space<vmem>>) semaphore(%arg13 : memref<!tpu.dma_semaphore, #tpu.memory_space<semaphore_mem>>)
    %dma_wait3A = arith.constant 0 : i32
    %dma_wait3A_64 = tpu.memref_slice %arg5[%add3A_34, %dma_wait3A] : memref<8x128xi32, #tpu.memory_space<vmem>> -> memref<1x128xi32, #tpu.memory_space<vmem>>
    %dma_wait3A_65 = tpu.memref_squeeze %dma_wait3A_64 : memref<1x128xi32, #tpu.memory_space<vmem>> -> memref<128xi32, #tpu.memory_space<vmem>>
    %dma_wait3A_66 = arith.constant 0 : i32
    %dma_wait3A_67 = arith.constant 0 : i32
    %dma_wait3A_68 = tpu.memref_slice %arg3[%dma_wait3A_66, %dma_wait3A_67] : memref<500000x128xf32, #tpu.memory_space<hbm>> -> memref<500000x128xf32, #tpu.memory_space<hbm>>
    tpu.wait_indirect_dma semaphore(%arg10 : memref<!tpu.dma_semaphore, #tpu.memory_space<semaphore_mem>>) src(%dma_wait3A_68 : memref<500000x128xf32, #tpu.memory_space<hbm>>) dst(%arg6 : memref<128x128xf32, #tpu.memory_space<vmem>>)
    %mul3A_69 = arith.constant 4 : i32
    %mul3A_70 = arith.muli %add3A, %mul3A_69 : i32
    %add3A_71 = arith.constant 0 : i32
    %add3A_72 = arith.addi %mul3A_70, %add3A_71 : i32
    %dma_start3A_73 = arith.constant 0 : i32
    %dma_start3A_74 = arith.constant 0 : i32
    %dma_start3A_75 = tpu.memref_slice %arg4[%add3A_72, %dma_start3A_73, %dma_start3A_74] : memref<128x128x128xf32, #tpu.memory_space<hbm>> -> memref<1x128x128xf32, #tpu.memory_space<hbm>>
    %dma_start3A_76 = tpu.memref_squeeze %dma_start3A_75 : memref<1x128x128xf32, #tpu.memory_space<hbm>> -> memref<128x128xf32, #tpu.memory_space<hbm>>
    %dma_start3A_77 = arith.constant 0 : i32
    %dma_start3A_78 = arith.constant 0 : i32
    %dma_start3A_79 = tpu.memref_slice %arg4[%add3A_72, %dma_start3A_77, %dma_start3A_78] : memref<128x128x128xf32, #tpu.memory_space<hbm>> -> memref<1x128x128xf32, #tpu.memory_space<hbm>>
    %dma_start3A_80 = tpu.memref_squeeze %dma_start3A_79 : memref<1x128x128xf32, #tpu.memory_space<hbm>> -> memref<128x128xf32, #tpu.memory_space<hbm>>
    tpu.enqueue_dma source(%arg6 : memref<128x128xf32, #tpu.memory_space<vmem>>) target(%dma_start3A_80 : memref<128x128xf32, #tpu.memory_space<hbm>>) target_semaphore(%arg14 : memref<!tpu.dma_semaphore, #tpu.memory_space<semaphore_mem>>)
    %dma_wait3A_81 = arith.constant 0 : i32
    %dma_wait3A_82 = tpu.memref_slice %arg5[%add3A_41, %dma_wait3A_81] : memref<8x128xi32, #tpu.memory_space<vmem>> -> memref<1x128xi32, #tpu.memory_space<vmem>>
    %dma_wait3A_83 = tpu.memref_squeeze %dma_wait3A_82 : memref<1x128xi32, #tpu.memory_space<vmem>> -> memref<128xi32, #tpu.memory_space<vmem>>
    %dma_wait3A_84 = arith.constant 0 : i32
    %dma_wait3A_85 = arith.constant 0 : i32
    %dma_wait3A_86 = tpu.memref_slice %arg3[%dma_wait3A_84, %dma_wait3A_85] : memref<500000x128xf32, #tpu.memory_space<hbm>> -> memref<500000x128xf32, #tpu.memory_space<hbm>>
    tpu.wait_indirect_dma semaphore(%arg11 : memref<!tpu.dma_semaphore, #tpu.memory_space<semaphore_mem>>) src(%dma_wait3A_86 : memref<500000x128xf32, #tpu.memory_space<hbm>>) dst(%arg7 : memref<128x128xf32, #tpu.memory_space<vmem>>)
    %mul3A_87 = arith.constant 4 : i32
    %mul3A_88 = arith.muli %add3A, %mul3A_87 : i32
    %add3A_89 = arith.constant 1 : i32
    %add3A_90 = arith.addi %mul3A_88, %add3A_89 : i32
    %dma_start3A_91 = arith.constant 0 : i32
    %dma_start3A_92 = arith.constant 0 : i32
    %dma_start3A_93 = tpu.memref_slice %arg4[%add3A_90, %dma_start3A_91, %dma_start3A_92] : memref<128x128x128xf32, #tpu.memory_space<hbm>> -> memref<1x128x128xf32, #tpu.memory_space<hbm>>
    %dma_start3A_94 = tpu.memref_squeeze %dma_start3A_93 : memref<1x128x128xf32, #tpu.memory_space<hbm>> -> memref<128x128xf32, #tpu.memory_space<hbm>>
    %dma_start3A_95 = arith.constant 0 : i32
    %dma_start3A_96 = arith.constant 0 : i32
    %dma_start3A_97 = tpu.memref_slice %arg4[%add3A_90, %dma_start3A_95, %dma_start3A_96] : memref<128x128x128xf32, #tpu.memory_space<hbm>> -> memref<1x128x128xf32, #tpu.memory_space<hbm>>
    %dma_start3A_98 = tpu.memref_squeeze %dma_start3A_97 : memref<1x128x128xf32, #tpu.memory_space<hbm>> -> memref<128x128xf32, #tpu.memory_space<hbm>>
    tpu.enqueue_dma source(%arg7 : memref<128x128xf32, #tpu.memory_space<vmem>>) target(%dma_start3A_98 : memref<128x128xf32, #tpu.memory_space<hbm>>) target_semaphore(%arg14 : memref<!tpu.dma_semaphore, #tpu.memory_space<semaphore_mem>>)
    %dma_wait3A_99 = arith.constant 0 : i32
    %dma_wait3A_100 = tpu.memref_slice %arg5[%add3A_49, %dma_wait3A_99] : memref<8x128xi32, #tpu.memory_space<vmem>> -> memref<1x128xi32, #tpu.memory_space<vmem>>
    %dma_wait3A_101 = tpu.memref_squeeze %dma_wait3A_100 : memref<1x128xi32, #tpu.memory_space<vmem>> -> memref<128xi32, #tpu.memory_space<vmem>>
    %dma_wait3A_102 = arith.constant 0 : i32
    %dma_wait3A_103 = arith.constant 0 : i32
    %dma_wait3A_104 = tpu.memref_slice %arg3[%dma_wait3A_102, %dma_wait3A_103] : memref<500000x128xf32, #tpu.memory_space<hbm>> -> memref<500000x128xf32, #tpu.memory_space<hbm>>
    tpu.wait_indirect_dma semaphore(%arg12 : memref<!tpu.dma_semaphore, #tpu.memory_space<semaphore_mem>>) src(%dma_wait3A_104 : memref<500000x128xf32, #tpu.memory_space<hbm>>) dst(%arg8 : memref<128x128xf32, #tpu.memory_space<vmem>>)
    %mul3A_105 = arith.constant 4 : i32
    %mul3A_106 = arith.muli %add3A, %mul3A_105 : i32
    %add3A_107 = arith.constant 2 : i32
    %add3A_108 = arith.addi %mul3A_106, %add3A_107 : i32
    %dma_start3A_109 = arith.constant 0 : i32
    %dma_start3A_110 = arith.constant 0 : i32
    %dma_start3A_111 = tpu.memref_slice %arg4[%add3A_108, %dma_start3A_109, %dma_start3A_110] : memref<128x128x128xf32, #tpu.memory_space<hbm>> -> memref<1x128x128xf32, #tpu.memory_space<hbm>>
    %dma_start3A_112 = tpu.memref_squeeze %dma_start3A_111 : memref<1x128x128xf32, #tpu.memory_space<hbm>> -> memref<128x128xf32, #tpu.memory_space<hbm>>
    %dma_start3A_113 = arith.constant 0 : i32
    %dma_start3A_114 = arith.constant 0 : i32
    %dma_start3A_115 = tpu.memref_slice %arg4[%add3A_108, %dma_start3A_113, %dma_start3A_114] : memref<128x128x128xf32, #tpu.memory_space<hbm>> -> memref<1x128x128xf32, #tpu.memory_space<hbm>>
    %dma_start3A_116 = tpu.memref_squeeze %dma_start3A_115 : memref<1x128x128xf32, #tpu.memory_space<hbm>> -> memref<128x128xf32, #tpu.memory_space<hbm>>
    tpu.enqueue_dma source(%arg8 : memref<128x128xf32, #tpu.memory_space<vmem>>) target(%dma_start3A_116 : memref<128x128xf32, #tpu.memory_space<hbm>>) target_semaphore(%arg14 : memref<!tpu.dma_semaphore, #tpu.memory_space<semaphore_mem>>)
    %dma_wait3A_117 = arith.constant 0 : i32
    %dma_wait3A_118 = tpu.memref_slice %arg5[%add3A_57, %dma_wait3A_117] : memref<8x128xi32, #tpu.memory_space<vmem>> -> memref<1x128xi32, #tpu.memory_space<vmem>>
    %dma_wait3A_119 = tpu.memref_squeeze %dma_wait3A_118 : memref<1x128xi32, #tpu.memory_space<vmem>> -> memref<128xi32, #tpu.memory_space<vmem>>
    %dma_wait3A_120 = arith.constant 0 : i32
    %dma_wait3A_121 = arith.constant 0 : i32
    %dma_wait3A_122 = tpu.memref_slice %arg3[%dma_wait3A_120, %dma_wait3A_121] : memref<500000x128xf32, #tpu.memory_space<hbm>> -> memref<500000x128xf32, #tpu.memory_space<hbm>>
    tpu.wait_indirect_dma semaphore(%arg13 : memref<!tpu.dma_semaphore, #tpu.memory_space<semaphore_mem>>) src(%dma_wait3A_122 : memref<500000x128xf32, #tpu.memory_space<hbm>>) dst(%arg9 : memref<128x128xf32, #tpu.memory_space<vmem>>)
    %mul3A_123 = arith.constant 4 : i32
    %mul3A_124 = arith.muli %add3A, %mul3A_123 : i32
    %add3A_125 = arith.constant 3 : i32
    %add3A_126 = arith.addi %mul3A_124, %add3A_125 : i32
    %dma_start3A_127 = arith.constant 0 : i32
    %dma_start3A_128 = arith.constant 0 : i32
    %dma_start3A_129 = tpu.memref_slice %arg4[%add3A_126, %dma_start3A_127, %dma_start3A_128] : memref<128x128x128xf32, #tpu.memory_space<hbm>> -> memref<1x128x128xf32, #tpu.memory_space<hbm>>
    %dma_start3A_130 = tpu.memref_squeeze %dma_start3A_129 : memref<1x128x128xf32, #tpu.memory_space<hbm>> -> memref<128x128xf32, #tpu.memory_space<hbm>>
    %dma_start3A_131 = arith.constant 0 : i32
    %dma_start3A_132 = arith.constant 0 : i32
    %dma_start3A_133 = tpu.memref_slice %arg4[%add3A_126, %dma_start3A_131, %dma_start3A_132] : memref<128x128x128xf32, #tpu.memory_space<hbm>> -> memref<1x128x128xf32, #tpu.memory_space<hbm>>
    %dma_start3A_134 = tpu.memref_squeeze %dma_start3A_133 : memref<1x128x128xf32, #tpu.memory_space<hbm>> -> memref<128x128xf32, #tpu.memory_space<hbm>>
    tpu.enqueue_dma source(%arg9 : memref<128x128xf32, #tpu.memory_space<vmem>>) target(%dma_start3A_134 : memref<128x128xf32, #tpu.memory_space<hbm>>) target_semaphore(%arg14 : memref<!tpu.dma_semaphore, #tpu.memory_space<semaphore_mem>>)
    %dma_wait3A_135 = arith.constant 0 : i32
    %dma_wait3A_136 = arith.constant 0 : i32
    %dma_wait3A_137 = tpu.memref_slice %arg4[%add3A_72, %dma_wait3A_135, %dma_wait3A_136] : memref<128x128x128xf32, #tpu.memory_space<hbm>> -> memref<1x128x128xf32, #tpu.memory_space<hbm>>
    %dma_wait3A_138 = tpu.memref_squeeze %dma_wait3A_137 : memref<1x128x128xf32, #tpu.memory_space<hbm>> -> memref<128x128xf32, #tpu.memory_space<hbm>>
    %dma_wait3A_139 = arith.constant 0 : i32
    %dma_wait3A_140 = arith.constant 0 : i32
    %dma_wait3A_141 = tpu.memref_slice %arg4[%add3A_72, %dma_wait3A_139, %dma_wait3A_140] : memref<128x128x128xf32, #tpu.memory_space<hbm>> -> memref<1x128x128xf32, #tpu.memory_space<hbm>>
    %dma_wait3A_142 = tpu.memref_squeeze %dma_wait3A_141 : memref<1x128x128xf32, #tpu.memory_space<hbm>> -> memref<128x128xf32, #tpu.memory_space<hbm>>
    tpu.wait_dma2 semaphore(%arg14 : memref<!tpu.dma_semaphore, #tpu.memory_space<semaphore_mem>>) src(%arg6 : memref<128x128xf32, #tpu.memory_space<vmem>>) dst(%dma_wait3A_142 : memref<128x128xf32, #tpu.memory_space<hbm>>)
    %dma_wait3A_143 = arith.constant 0 : i32
    %dma_wait3A_144 = arith.constant 0 : i32
    %dma_wait3A_145 = tpu.memref_slice %arg4[%add3A_90, %dma_wait3A_143, %dma_wait3A_144] : memref<128x128x128xf32, #tpu.memory_space<hbm>> -> memref<1x128x128xf32, #tpu.memory_space<hbm>>
    %dma_wait3A_146 = tpu.memref_squeeze %dma_wait3A_145 : memref<1x128x128xf32, #tpu.memory_space<hbm>> -> memref<128x128xf32, #tpu.memory_space<hbm>>
    %dma_wait3A_147 = arith.constant 0 : i32
    %dma_wait3A_148 = arith.constant 0 : i32
    %dma_wait3A_149 = tpu.memref_slice %arg4[%add3A_90, %dma_wait3A_147, %dma_wait3A_148] : memref<128x128x128xf32, #tpu.memory_space<hbm>> -> memref<1x128x128xf32, #tpu.memory_space<hbm>>
    %dma_wait3A_150 = tpu.memref_squeeze %dma_wait3A_149 : memref<1x128x128xf32, #tpu.memory_space<hbm>> -> memref<128x128xf32, #tpu.memory_space<hbm>>
    tpu.wait_dma2 semaphore(%arg14 : memref<!tpu.dma_semaphore, #tpu.memory_space<semaphore_mem>>) src(%arg7 : memref<128x128xf32, #tpu.memory_space<vmem>>) dst(%dma_wait3A_150 : memref<128x128xf32, #tpu.memory_space<hbm>>)
    %dma_wait3A_151 = arith.constant 0 : i32
    %dma_wait3A_152 = arith.constant 0 : i32
    %dma_wait3A_153 = tpu.memref_slice %arg4[%add3A_108, %dma_wait3A_151, %dma_wait3A_152] : memref<128x128x128xf32, #tpu.memory_space<hbm>> -> memref<1x128x128xf32, #tpu.memory_space<hbm>>
    %dma_wait3A_154 = tpu.memref_squeeze %dma_wait3A_153 : memref<1x128x128xf32, #tpu.memory_space<hbm>> -> memref<128x128xf32, #tpu.memory_space<hbm>>
    %dma_wait3A_155 = arith.constant 0 : i32
    %dma_wait3A_156 = arith.constant 0 : i32
    %dma_wait3A_157 = tpu.memref_slice %arg4[%add3A_108, %dma_wait3A_155, %dma_wait3A_156] : memref<128x128x128xf32, #tpu.memory_space<hbm>> -> memref<1x128x128xf32, #tpu.memory_space<hbm>>
    %dma_wait3A_158 = tpu.memref_squeeze %dma_wait3A_157 : memref<1x128x128xf32, #tpu.memory_space<hbm>> -> memref<128x128xf32, #tpu.memory_space<hbm>>
    tpu.wait_dma2 semaphore(%arg14 : memref<!tpu.dma_semaphore, #tpu.memory_space<semaphore_mem>>) src(%arg8 : memref<128x128xf32, #tpu.memory_space<vmem>>) dst(%dma_wait3A_158 : memref<128x128xf32, #tpu.memory_space<hbm>>)
    %dma_wait3A_159 = arith.constant 0 : i32
    %dma_wait3A_160 = arith.constant 0 : i32
    %dma_wait3A_161 = tpu.memref_slice %arg4[%add3A_126, %dma_wait3A_159, %dma_wait3A_160] : memref<128x128x128xf32, #tpu.memory_space<hbm>> -> memref<1x128x128xf32, #tpu.memory_space<hbm>>
    %dma_wait3A_162 = tpu.memref_squeeze %dma_wait3A_161 : memref<1x128x128xf32, #tpu.memory_space<hbm>> -> memref<128x128xf32, #tpu.memory_space<hbm>>
    %dma_wait3A_163 = arith.constant 0 : i32
    %dma_wait3A_164 = arith.constant 0 : i32
    %dma_wait3A_165 = tpu.memref_slice %arg4[%add3A_126, %dma_wait3A_163, %dma_wait3A_164] : memref<128x128x128xf32, #tpu.memory_space<hbm>> -> memref<1x128x128xf32, #tpu.memory_space<hbm>>
    %dma_wait3A_166 = tpu.memref_squeeze %dma_wait3A_165 : memref<1x128x128xf32, #tpu.memory_space<hbm>> -> memref<128x128xf32, #tpu.memory_space<hbm>>
    tpu.wait_dma2 semaphore(%arg14 : memref<!tpu.dma_semaphore, #tpu.memory_space<semaphore_mem>>) src(%arg9 : memref<128x128xf32, #tpu.memory_space<vmem>>) dst(%dma_wait3A_166 : memref<128x128xf32, #tpu.memory_space<hbm>>)
    return
  }
}

</mosaic_0001>

<sc_bundles>
// kernel: kernel.3.cloned.1.call-start
scs
__scs_entry_jumppad:
0x0: {  	(pc) =	sbr.rel $0x88, $3  }
0x1: {  	(tag) =	ssettag $0x0;
	lr =	simm.s32 $0x1  }
0x2: {  	[smem:$0x3F9F] =	sst lr;
	_ =	strace $0xD0000000  }
0x3: {  	_ = 	snop  }
0x4: {  	_ = 	snop  }
0x5: {  	_ = 	snop  }
0x6: {  	_ = 	snop  }
0x7: {  	_ = 	snop  }
__scs_overlays_trampoline_lowered:
0x8: {  	[smem:$0x3FAE] =	sst s0  }
0x9: {  	[smem:$0x3FAF] =	sst s1  }
0xa: {  	[smem:$0x3FB0] =	sst s2  }
0xb: {  	[smem:$0x3FB1] =	sst s3  }
0xc: {  	[smem:$0x3FB2] =	sst s4  }
0xd: {  	[smem:$0x3FB3] =	sst s5  }
0xe: {  	[smem:$0x3FB4] =	sst s6  }
0xf: {  	[smem:$0x3FB5] =	sst s7  }
0x10: {  	[smem:$0x3FB6] =	sst s8  }
0x11: {  	[smem:$0x3FB7] =	sst s9;
	s0 =	simm.s32 @!p0 $0x0  }
0x12: {  	s1 =	sld [smem:$0x3F9D];
	s0 =	simm.s32 @p0 $0x1  }
0x13: {  	[smem:$0x3FB8] =	sst s0;
	s0 =	simm.s32 @!p1 $0x0  }
0x14: {  	s2 =	sld [smem:$0x3F9C];
	s0 =	simm.s32 @p1 $0x1  }
0x15: {  	[smem:$0x3FB9] =	sst s0;
	s0 =	simm.s32 @!p2 $0x0  }
0x16: {  	s3 =	sld [smem:$0x3FDB];
	s0 =	simm.s32 @p2 $0x1  }
0x17: {  	s4 =	simm.s32 $0x1BF5;
	[smem:$0x3FBB] =	sst s0  }
0x18: {  	s0 =	sld [smem:$0x3F9E];
	_ =	swait.ge [sflag:s4], $0x0  }
0x19: {  	s7 =	sld [smem:$0x3F9F]  }
0x1a: {  	s8 =	sadd.s32 $0xFFFFE003, lr  }
0x1b: {  	s9 =	sadd.s32 $0xFFFFFEF7, lr;
	s5 =	simm.s32 $0xFFFFFFFF;
	p2 =	slt.u32 s8, $0xFFFFF086  }
0x1c: {  	p1 =	slt.u32 s9, $0xF7A;
	s5 =	simm.s32 @!p2 $0x0  }
0x1d: {  	s5 =	simm.s32 @p1 $0x1;
	p0 =	seq.s32 s7, s2  }
0x1e: {  	s7 =	smul.u32 @!p0 $0xF7A, s2;
	p2 =	seq.s32 @!p0 s5, $0x0  }
0x1f: {  	s9 =	smul.u32 $0xF7A, s1;
	s8 =	simm.s32 @!p0 $0x1BF5;
	p2 =	por !p2, p0  }
0x20: {  	[sflag:s8] =	ssyncset.s32 @!p0 $0xFFFFF086;
	s6 =	sadd.s32 @!p0 s3, s7;
	s7 =	simm.s32 @!p0 $0x108  }
0x21: {  	s3 =	sadd.s32 s3, s9;
	s6 =	sadd.s32 @!p0 $0x88, s6;
	s7 =	simm.s32 @p2 $0x1082  }
0x22: {  	[simem:s7], [sflag:s8] =	dma.local @!p0 [hbm:s6], $0xF7A  }
0x23: {  	s9 =	sor.u32 $0xD0000000, s2;
	s6 =	simm.s32 $0x108;
	_ =	swait.ge @!p0 [sflag:s8], $0x0  }
0x24: {  	s3 =	sadd.s32 $0x88, s3;
	s6 =	simm.s32 @!p1 $0x1082;
	[sflag:s4] =	ssyncset.s32 $0xFFFFF086  }
0x25: {  	[simem:s6], [sflag:s4] =	dma.local [hbm:s3], $0xF7A  }
0x26: {  	[smem:$0x3F9F] =	sst s1;
	(tag) =	ssettag s2;
	_ =	strace s9  }
0x27: {  	s1 =	sld [smem:$0x3FAF]  }
0x28: {  	s2 =	sld [smem:$0x3FB0]  }
0x29: {  	s4 =	sld [smem:$0x3FB2]  }
0x2a: {  	p0 =	seq.s32 s5, $0x0;
	s5 =	sld [smem:$0x3FB3]  }
0x2b: {  	s6 =	sld [smem:$0x3FB4]  }
0x2c: {  	s7 =	sld [smem:$0x3FB5]  }
0x2d: {  	s3 =	simm.s32 $0x108;
	s8 =	sld [smem:$0x3FB6]  }
0x2e: {  	s3 =	simm.s32 @!p0 $0x1082;
	s9 =	sld [smem:$0x3FB7]  }
0x2f: {  	lr =	sadd.s32 s0, s3;
	s0 =	sld [smem:$0x3FAE]  }
0x30: {  	s3 =	sld [smem:$0x3FB1]  }
0x31: {  	[smem:$0x3FBA] =	sst s10  }
0x32: {  	s10 =	sld [smem:$0x3FB8];
	_ =	sdelay $0x3  }
0x33: {  	p0 =	seq.s32 s10, $0x1;
	s10 =	sld [smem:$0x3FBA];
	_ =	sdelay $0x3  }
0x34: {  	[smem:$0x3FBA] =	sst s10  }
0x35: {  	s10 =	sld [smem:$0x3FB9];
	_ =	sdelay $0x3  }
0x36: {  	p1 =	seq.s32 s10, $0x1;
	s10 =	sld [smem:$0x3FBA];
	_ =	sdelay $0x3  }
0x37: {  	[smem:$0x3FBA] =	sst s10  }
0x38: {  	s10 =	sld [smem:$0x3FBB]  }
0x39: {  	_ = 	snop;
	(pc) =	sbr.ind lr, $3  }
0x3a: {  	_ = 	snop  }
0x3b: {  	_ = 	snop  }
0x3c: {  	p2 =	seq.s32 s10, $0x1;
	s10 =	sld [smem:$0x3FBA]  }
0x3d: {  	_ =	shalt  }
0x3e: {  	_ =	shalt  }
0x3f: {  	_ =	shalt  }
0x40: {  	_ =	shalt  }
0x41: {  	_ =	shalt  }
0x42: {  	_ =	shalt  }
0x43: {  	_ =	shalt  }
0x44: {  	_ =	shalt  }
0x45: {  	_ =	shalt  }
0x46: {  	_ =	shalt  }
0x47: {  	_ =	shalt  }
0x48: {  	_ =	shalt  }
0x49: {  	_ =	shalt  }
0x4a: {  	_ =	shalt  }
0x4b: {  	_ =	shalt  }
0x4c: {  	_ =	shalt  }
0x4d: {  	_ =	shalt  }
0x4e: {  	_ =	shalt  }
0x4f: {  	_ =	shalt  }
0x50: {  	_ =	shalt  }
0x51: {  	_ =	shalt  }
0x52: {  	_ =	shalt  }
0x53: {  	_ =	shalt  }
0x54: {  	_ =	shalt  }
0x55: {  	_ =	shalt  }
0x56: {  	_ =	shalt  }
0x57: {  	_ =	shalt  }
0x58: {  	_ =	shalt  }
0x59: {  	_ =	shalt  }
0x5a: {  	_ =	shalt  }
0x5b: {  	_ =	shalt  }
0x5c: {  	_ =	shalt  }
0x5d: {  	_ =	shalt  }
0x5e: {  	_ =	shalt  }
0x5f: {  	_ =	shalt  }
0x60: {  	_ =	shalt  }
0x61: {  	_ =	shalt  }
0x62: {  	_ =	shalt  }
0x63: {  	_ =	shalt  }
0x64: {  	_ =	shalt  }
0x65: {  	_ =	shalt  }
0x66: {  	_ =	shalt  }
0x67: {  	_ =	shalt  }
0x68: {  	_ =	shalt  }
0x69: {  	_ =	shalt  }
0x6a: {  	_ =	shalt  }
0x6b: {  	_ =	shalt  }
0x6c: {  	_ =	shalt  }
0x6d: {  	_ =	shalt  }
0x6e: {  	_ =	shalt  }
0x6f: {  	_ =	shalt  }
0x70: {  	_ =	shalt  }
0x71: {  	_ =	shalt  }
0x72: {  	_ =	shalt  }
0x73: {  	_ =	shalt  }
0x74: {  	_ =	shalt  }
0x75: {  	_ =	shalt  }
0x76: {  	_ =	shalt  }
0x77: {  	_ =	shalt  }
0x78: {  	_ =	shalt  }
0x79: {  	_ =	shalt  }
0x7a: {  	_ =	shalt  }
0x7b: {  	_ =	shalt  }
0x7c: {  	_ =	shalt  }
0x7d: {  	_ =	shalt  }
0x7e: {  	_ =	shalt  }
0x7f: {  	_ =	shalt  }
0x80: {  	_ =	shalt  }
0x81: {  	_ =	shalt  }
0x82: {  	_ =	shalt  }
0x83: {  	_ =	shalt  }
0x84: {  	_ =	shalt  }
0x85: {  	_ =	shalt  }
0x86: {  	_ =	shalt  }
0x87: {  	_ =	shalt  }
.Lfunc_end0:
.L_simem_size_0:
called_computation_lowered:
.L_overlay_start_0:
0x88: {  	s2 =	sld [smem:$0x3FD9]  }
0x89: {  	s3 =	sld [smem:$0x3FFE];
	_ =	sdelay $0x1  }
0x8a: {  	s1 =	srdreg.scid  }
0x8b: {  	s0 =	sand.u32 $0x1, s1  }
0x8c: {  	s17 =	sshll.u32 s0, $0xA;
	s2 =	sadd.s32 s3, s2  }
0x8d: {  	s2 =	sadd.s32 s2, s17  }
0x8e: {  	[smem:$0x3FC6] =	sst s2  }
0x8f: {  	_ = 	snop  }
0x90: {  	s2 =	sld [smem:$0x3FD0];
	(tm) =	ssettm $0x1  }
0x91: {  	s18 =	sld [smem:$0x3FFB];
	_ =	sdelay $0x3  }
0x92: {  	_ =	strace s18  }
0x93: {  	s3 =	sld [smem:$0x3FFC];
	_ =	sdelay $0x3  }
0x94: {  	_ =	strace s3  }
0x95: {  	s3 =	sld [smem:$0x3FFD];
	_ =	sdelay $0x3  }
0x96: {  	_ =	strace s3  }
0x97: {  	_ =	strace $0x8FFFFFFF  }
0x98: {  	s19 =	sld [smem:$0x3FDB];
	_ =	sdelay $0x1  }
0x99: {  	s4 =	simm.s32 $_scs_section_size  }
0x9a: {  	s5 =	simm.s32 $_size__tile_overlayer_lowered;
	s6 =	simm.s32 $_tile_overlayer_lowered  }
0x9b: {  	s22 =	simm.s32 $0x1BFF;
	s21 =	sshll.u32 s6, $0x1;
	s3 =	sadd.s32 s4, s19  }
0x9c: {  	s7 =	simm.s32 $0x0;
	s20 =	sshll.u32 s5, $0x1;
	s5 =	sadd.s32 s21, s3  }
0x9d: {  	[timem:s7], [sflag:s22] =	dma.local [hbm:s5], s20  }
0x9e: {  	_ =	swait.ge [sflag:s22], s20  }
0x9f: {  	s4 =	ssub.s32 $0x0, s20;
	[sflag:s22] =	ssyncset.done $0x0  }
0xa0: {  	[sflag:s22] =	ssyncadd.s32 s4;
	_ =	sdelay $0x1  }
0xa1: {  	s23 =	simm.s32 $0x1B8B  }
0xa2: {  	_ =	swait.ge [sflag:s23], $0x1  }
0xa3: {  	[sflag:s23] =	ssyncset.done $0x0  }
0xa4: {  	s25 =	simm.s32 $0x1B8E;
	s24 =	sld [smem:$0x3FFE];
	[sflag:s23] =	ssyncadd.s32 $0xFFFFFFFF  }
0xa5: {  	s26 =	simm.s32 $execute0_lowered;
	[smem:$0x3FD2] =	sst s25  }
0xa6: {  	s5 =	sshll.u32 s26, $0x1;
	_ =	strace $0x80000046;
	[dreg:$0x1] =	wrdreg $0xFFFFFFFF  }
0xa7: {  	s28 =	simm.s32 $_size_execute0_lowered;
	s3 =	sadd.s32 s3, s5;
	[dreg:$0x0] =	wrdreg $0x0  }
0xa8: {  	s5 =	sshll.u32 s28, $0x1;
	[dreg:$0x2] =	wrdreg s3  }
0xa9: {  	[dreg:$0x3] =	wrdreg s5  }
0xaa: {  	[dreg:$0x4] =	wrdreg $0xC0  }
0xab: {  	_ =	task [dreg:s7], $0x5FFFF  }
0xac: {  	[dreg:$0x1] =	wrdreg $0xFFFFFFFF  }
0xad: {  	[dreg:$0x0] =	wrdreg $0x60  }
0xae: {  	[dreg:$0x2] =	wrdreg s2  }
0xaf: {  	[dreg:$0x3] =	wrdreg s24  }
0xb0: {  	[dreg:$0x4] =	wrdreg $0x9  }
0xb1: {  	_ =	task.clear_ibuf [dreg:s7], $0x5FFFF;
	_ =	strace $0x90000046  }
0xb2: {  	s29 =	simm.s32 $0x9;
	_ =	strace $0x80000048  }
0xb3: {  	_ =	swait.ge [sflag:s29], $0x1  }
0xb4: {  	[sflag:s29] =	ssyncadd.s32 $0xFFFFFFFF  }
0xb5: {  	_ =	strace $0x90000048  }
0xb6: {  	_ =	sfence  }
0xb7: {  	s30 =	sld [smem:$0x0];
	_ =	sdelay $0x2  }
0xb8: {  	s31 =	sshll.u32 s1, $0xD;
	s1 =	sshrl.u32 s1, $0x2  }
0xb9: {  	s3 =	sand.u32 $0x4000, s31;
	s1 =	sadd.s32 s1, s30  }
0xba: {  	s0 =	sor.u32 s3, s0;
	s1 =	sshll.u32 s1, $0x11  }
0xbb: {  	s0 =	sor.u32 s1, s0  }
0xbc: {  	s0 =	sadd.s32 $0x8F2B, s0  }
0xbd: {  	[sflag:s0] =	ssyncadd.remote.s32 $0x1  }
0xbe: {  	_ =	sfence.sel $0xFFFF  }
0xbf: {  	[dreg:$0x0] =	wrdreg $0xFFFFFFFF;
	(pc) =	sbr.abs _section_cstart, $3  }
0xc0: {  	[dreg:$0x1] =	wrdreg $0xFFFFFFFF  }
0xc1: {  	_ =	task.clear_ibuf [dreg:s7], $0x2FFFF;
	_ =	strace $0x9FFFFFFF  }
0xc2: {  	(tm) =	ssettm $0x7FFFFFFF  }
0xc3: {  	_ =	shalt  }
tec
execute0_lowered:
.L_overlay_start_1:
0x0: {  	(tag) =	ssettag $0x1  }
0x1: {  	s1 =	srdreg.scid;
	s0 =	stileid.u32  }
0x2: {  	s24 =	sand.u32 $0x1, s1;
	s31 =	sshll.u32 s0, $0x1  }
0x3: {  	s16 =	sor.u32 s24, s31  }
0x4: {  	p1 =	seq.s32 s24, $0x1;
	p0 =	seq.s32 s16, $0x0  }
0x5: {  	p0 =	por !p0, !p1  }
0x6: {  	s1 =	simm.s32 $0x1;
	p0 =	por !p0, !p0  }
0x7: {  	s3 =	rddreg [dreg:$0x0];
	s1 =	simm.s32 @!p0 $0x0  }
0x8: {  	s17 =	rddreg [dreg:$0x1];
	s2 =	simm.s32 $0x0;
	s4 =	ssub.s32 s0, s1  }
0x9: {  	[smem:$0x7FF] =	sst s2;
	s4 =	sshll.u32 s4, $0x7  }
0xa: {  	s1 =	rddreg [dreg:$0x2];
	s4 =	sand.u32 $0x1FFFFF80, s4  }
0xb: {  	_ =	strace $0x80000047;
	s3 =	sadd.s32 s3, s4;
	s4 =	simm.s32 $0x6  }
0xc: {  	[tilespmem:s2], [sflag:$0x6] =	stream.linear.gather [hbm4b:s3+s2], $0x400, $0x38;
	[tilespmem:$0x10400] =	vst v63  }
0xd: {  	_ =	swait.ge [sflag:s4], $0x400  }
0xe: {  	s7 =	simm.s32 $0x80;
	s8 =	simm.s32 $0x400;
	[sflag:s4] =	ssyncset.done $0x0  }
0xf: {  	s5 =	sadd.s32 $0xF42E00, s17;
	s6 =	sshll.u32 s24, $0x9;
	[sflag:s4] =	ssyncadd.s32 $0xFFFFFC00  }
0x10: {  	[tilespmem:s8], [sflag:$0x1] =	stream.indirect.gather [hbm4b:s5+s7], $0x80, s6, s7, $0xb8;
	[tilespmem:$0x10400] =	vst v63  }
0x11: {  	s10 =	simm.s32 $0x4400;
	s9 =	sor.u32 $0x80, s6  }
0x12: {  	[tilespmem:s10], [sflag:$0x2] =	stream.indirect.gather [hbm4b:s5+s7], $0x80, s9, s7, $0xb8;
	[tilespmem:$0x10400] =	vst v63  }
0x13: {  	s12 =	simm.s32 $0x8400;
	s11 =	sor.u32 $0x100, s6  }
0x14: {  	[tilespmem:s12], [sflag:$0x3] =	stream.indirect.gather [hbm4b:s5+s7], $0x80, s11, s7, $0xb8;
	[tilespmem:$0x10400] =	vst v63  }
0x15: {  	s13 =	simm.s32 $0x1;
	s15 =	simm.s32 $0xC400;
	s14 =	sor.u32 $0x180, s6  }
0x16: {  	[tilespmem:s15], [sflag:$0x4] =	stream.indirect.gather [hbm4b:s5+s7], $0x80, s14, s7, $0xb8;
	[tilespmem:$0x10400] =	vst v63  }
0x17: {  	s16 =	sshll.u32 s16, $0xD;
	_ =	swait.ge [sflag:s13], $0x4000  }
0x18: {  	s22 =	sadd.s32 s16, s17;
	[sflag:s13] =	ssyncset.done $0x0  }
0x19: {  	s17 =	simm.s32 $0x2;
	s16 =	sadd.s32 $0xA00, s22;
	[sflag:s13] =	ssyncadd.s32 $0xFFFFC000  }
0x1a: {  	[hbm4b:s16+s2] =	stream.linear.scatter [tilespmem:s8], [sflag:$0x5], $0x4000, $0x38;
	[tilespmem:$0x10400] =	vst v63  }
0x1b: {  	_ =	swait.ge [sflag:s17], $0x4000  }
0x1c: {  	[sflag:s17] =	ssyncset.done $0x0  }
0x1d: {  	s19 =	simm.s32 $0x3;
	s18 =	sadd.s32 $0x1200, s22;
	[sflag:s17] =	ssyncadd.s32 $0xFFFFC000  }
0x1e: {  	[hbm4b:s18+s2] =	stream.linear.scatter [tilespmem:s10], [sflag:$0x5], $0x4000, $0x38;
	[tilespmem:$0x10400] =	vst v63  }
0x1f: {  	_ =	swait.ge [sflag:s19], $0x4000  }
0x20: {  	[sflag:s19] =	ssyncset.done $0x0  }
0x21: {  	s21 =	simm.s32 $0x4;
	s20 =	sadd.s32 $0x1A00, s22;
	[sflag:s19] =	ssyncadd.s32 $0xFFFFC000  }
0x22: {  	[hbm4b:s20+s2] =	stream.linear.scatter [tilespmem:s12], [sflag:$0x5], $0x4000, $0x38;
	[tilespmem:$0x10400] =	vst v63  }
0x23: {  	_ =	swait.ge [sflag:s21], $0x4000  }
0x24: {  	[sflag:s21] =	ssyncset.done $0x0  }
0x25: {  	s23 =	sadd.s32 $0x2200, s22;
	s22 =	simm.s32 $0x5;
	[sflag:s21] =	ssyncadd.s32 $0xFFFFC000  }
0x26: {  	[hbm4b:s23+s2] =	stream.linear.scatter [tilespmem:s15], [sflag:$0x5], $0x4000, $0x38;
	[tilespmem:$0x10400] =	vst v63  }
0x27: {  	_ =	swait.ge [sflag:s22], $0x4000  }
0x28: {  	s24 =	ssub.s32 $0x2, s24;
	[sflag:s22] =	ssyncset.done $0x0  }
0x29: {  	s25 =	sshrl.u32 s24, $0x1;
	[sflag:s22] =	ssyncadd.s32 $0xFFFFC000  }
0x2a: {  	s24 =	ssub.s32 s24, s25;
	_ =	swait.ge [sflag:s22], $0x4000  }
0x2b: {  	s24 =	smax.u32 s24, $0x1;
	[sflag:s22] =	ssyncset.done $0x0  }
0x2c: {  	p0 =	sne.s32 s24, $0x1;
	[sflag:s22] =	ssyncadd.s32 $0xFFFFC000  }
.Ltmp0:
0x2d: {  	_ =	swait.ge [sflag:s22], $0x4000;
	(pc) =	sbr.rel @!p0 .LBB2_2-.Ltmp0, $4  }
0x2e: {  	[sflag:s22] =	ssyncset.done $0x0  }
0x2f: {  	[sflag:s22] =	ssyncadd.s32 $0xFFFFC000  }
0x30: {  	_ =	swait.ge [sflag:s22], $0x4000  }
0x31: {  	s24 =	sadd.s32 $0xFFFFFFFF, s24;
	[sflag:s22] =	ssyncset.done $0x0  }
.LBB2_1:
0x32: {  	p0 =	sne.s32 s24, $0x1;
	s24 =	sadd.s32 $0xFFFFFFFF, s24;
	[sflag:s22] =	ssyncadd.s32 $0xFFFFC000  }
0x33: {  	[tilespmem:s2], [sflag:$0x6] =	stream.linear.gather [hbm4b:s3+s2], $0x400, $0x38;
	[tilespmem:$0x10400] =	vst v63  }
0x34: {  	_ =	swait.ge [sflag:s4], $0x400  }
0x35: {  	[sflag:s4] =	ssyncset.done $0x0  }
0x36: {  	[sflag:s4] =	ssyncadd.s32 $0xFFFFFC00  }
0x37: {  	[tilespmem:s8], [sflag:$0x1] =	stream.indirect.gather [hbm4b:s5+s7], $0x80, s6, s7, $0xb8;
	[tilespmem:$0x10400] =	vst v63  }
0x38: {  	_ = 	snop  }
0x39: {  	[tilespmem:s10], [sflag:$0x2] =	stream.indirect.gather [hbm4b:s5+s7], $0x80, s9, s7, $0xb8;
	[tilespmem:$0x10400] =	vst v63  }
0x3a: {  	_ = 	snop  }
0x3b: {  	[tilespmem:s12], [sflag:$0x3] =	stream.indirect.gather [hbm4b:s5+s7], $0x80, s11, s7, $0xb8;
	[tilespmem:$0x10400] =	vst v63  }
0x3c: {  	_ = 	snop  }
0x3d: {  	[tilespmem:s15], [sflag:$0x4] =	stream.indirect.gather [hbm4b:s5+s7], $0x80, s14, s7, $0xb8;
	[tilespmem:$0x10400] =	vst v63  }
0x3e: {  	_ =	swait.ge [sflag:s13], $0x4000  }
0x3f: {  	[sflag:s13] =	ssyncset.done $0x0  }
0x40: {  	[sflag:s13] =	ssyncadd.s32 $0xFFFFC000  }
0x41: {  	[hbm4b:s16+s2] =	stream.linear.scatter [tilespmem:s8], [sflag:$0x5], $0x4000, $0x38;
	[tilespmem:$0x10400] =	vst v63  }
0x42: {  	_ =	swait.ge [sflag:s17], $0x4000  }
0x43: {  	[sflag:s17] =	ssyncset.done $0x0  }
0x44: {  	[sflag:s17] =	ssyncadd.s32 $0xFFFFC000  }
0x45: {  	[hbm4b:s18+s2] =	stream.linear.scatter [tilespmem:s10], [sflag:$0x5], $0x4000, $0x38;
	[tilespmem:$0x10400] =	vst v63  }
0x46: {  	_ =	swait.ge [sflag:s19], $0x4000  }
0x47: {  	[sflag:s19] =	ssyncset.done $0x0  }
0x48: {  	[sflag:s19] =	ssyncadd.s32 $0xFFFFC000  }
0x49: {  	[hbm4b:s20+s2] =	stream.linear.scatter [tilespmem:s12], [sflag:$0x5], $0x4000, $0x38;
	[tilespmem:$0x10400] =	vst v63  }
0x4a: {  	_ =	swait.ge [sflag:s21], $0x4000  }
0x4b: {  	[sflag:s21] =	ssyncset.done $0x0  }
0x4c: {  	[sflag:s21] =	ssyncadd.s32 $0xFFFFC000  }
0x4d: {  	[hbm4b:s23+s2] =	stream.linear.scatter [tilespmem:s15], [sflag:$0x5], $0x4000, $0x38;
	[tilespmem:$0x10400] =	vst v63  }
0x4e: {  	_ =	swait.ge [sflag:s22], $0x4000  }
0x4f: {  	[sflag:s22] =	ssyncset.done $0x0  }
0x50: {  	[sflag:s22] =	ssyncadd.s32 $0xFFFFC000  }
0x51: {  	_ =	swait.ge [sflag:s22], $0x4000  }
0x52: {  	[sflag:s22] =	ssyncset.done $0x0  }
0x53: {  	[sflag:s22] =	ssyncadd.s32 $0xFFFFC000  }
.Ltmp1:
0x54: {  	_ =	swait.ge [sflag:s22], $0x4000;
	(pc) =	sbr.rel @p0 .LBB2_1-.Ltmp1, $4  }
0x55: {  	[sflag:s22] =	ssyncset.done $0x0  }
0x56: {  	[sflag:s22] =	ssyncadd.s32 $0xFFFFC000  }
0x57: {  	_ =	swait.ge [sflag:s22], $0x4000  }
0x58: {  	[sflag:s22] =	ssyncset.done $0x0  }
.LBB2_2:
0x59: {  	[sflag:s22] =	ssyncadd.s32 $0xFFFFC000  }
0x5a: {  	_ =	sfence.sel $0x180000  }
0x5b: {  	[bflag:$0x0] =	sbarrier.arrive $0xFFFF  }
0x5c: {  	p0 =	sne.s32 s0, $0x0;
	_ =	strace $0x90000047  }
0x5d: {  	s0 =	sadd.s32 @!p0 $0x100000, s1;
	[bflag:$0x2] =	sbarrier.arrive $0xFFFF  }
0x5e: {  	[sflag:s0] =	ssyncadd.tile.s32 @!p0 $0x1;
	_ =	shalt  }
.Lfunc_end2:
_tile_overlayer_lowered:
.L_overlay_start_2:
0x5f: {  	(tag) =	ssettag $0x2  }
0x60: {  	s0 =	rddreg [dreg:$0x0];
	s2 =	stileid.u32  }
0x61: {  	s1 =	rddreg [dreg:$0x1];
	p0 =	sne.s32 s2, $0x0  }
0x62: {  	s3 =	rddreg [dreg:$0x2];
	[bflag:$0x3] =	sbarrier.arrive $0xFFFF;
	s2 =	simm.s32 @!p0 $0x1C06  }
0x63: {  	[timem:s3], [sflag:s2] =	dma.local @!p0 [hbm:s0], s1  }
0x64: {  	s0 =	simm.s32 @!p0 $0x6  }
0x65: {  	_ =	swait.ge @!p0 [sflag:s0], s1  }
0x66: {  	s1 =	ssub.s32 @!p0 $0x0, s1;
	[sflag:s0] =	ssyncset.done @!p0 $0x0  }
0x67: {  	[sflag:s0] =	ssyncadd.s32 @!p0 s1  }
0x68: {  	[bflag:$0x3] =	sbarrier.arrive $0xFFFF  }
0x69: {  	_ =	shalt  }

</sc_bundles>
